<compile_context>
chip_gen: v7x
topology: tpu7x:2x2x1
jax: 0.10.2.dev20260603
libtpu: 0.0.44.dev20260713+nightly
codegen_flags: <defaults>
</compile_context>

<pallas_src>
import functools

import jax
import jax.numpy as jnp
from jax import lax
from jax.experimental import pallas as pl
from jax.experimental.pallas import tpu as pltpu
from jax.experimental.pallas import tpu_sc as plsc

_EMBED = 16
_SEQ = 200
_NS = 16
_B_PAD = 256
_B_PER_W = _B_PAD // _NS


def _tile_body(table_hbm, idx_hbm, out_hbm, idx_v, rows_v, part_v, all_v,
               shared, sem):
    wid = lax.axis_index("s")
    base = wid * _B_PER_W
    pltpu.sync_copy(idx_hbm.at[pl.ds(base, _B_PER_W)], idx_v)
    pltpu.async_copy(table_hbm.at[idx_v], rows_v, sem).wait()
    m = rows_v[0, :]
    for i in range(1, _B_PER_W):
        m = jnp.maximum(m, rows_v[i, :])
    part_v[...] = m
    pltpu.sync_copy(part_v, shared.at[wid])
    plsc.subcore_barrier()

    @pl.when(wid == 0)
    def _():
        pltpu.sync_copy(shared, all_v)
        f = all_v[0, :]
        for i in range(1, _NS):
            f = jnp.maximum(f, all_v[i, :])
        part_v[...] = f
        pltpu.sync_copy(part_v, out_hbm)


@jax.jit
def kernel(words, table):
    idx = words.astype(jnp.int32)
    pad = jnp.broadcast_to(idx[0], (_B_PAD - _SEQ,))
    idx_p = jnp.concatenate([idx, pad])

    mesh = plsc.VectorSubcoreMesh(
        core_axis_name="c", subcore_axis_name="s", num_cores=1)
    run = pl.kernel(
        _tile_body,
        out_type=jax.ShapeDtypeStruct((_EMBED,), jnp.float32),
        mesh=mesh,
        scratch_types=[
            pltpu.VMEM((_B_PER_W,), jnp.int32),
            pltpu.VMEM((_B_PER_W, _EMBED), jnp.float32),
            pltpu.VMEM((_EMBED,), jnp.float32),
            pltpu.VMEM((_NS, _EMBED), jnp.float32),
            pltpu.VMEM_SHARED((_NS, _EMBED), jnp.float32),
            pltpu.SemaphoreType.DMA,
        ],
        compiler_params=pltpu.CompilerParams(use_tc_tiling_on_sc=False),
    )
    return run(table, idx_p)

# --- scband reference (transcript-rebuilt; emitter-appended) ---
"""Pipeline reference for scband-text-to-vector-73735998538098 (READ-ONLY COPY).

The authoritative reference and input builder live on the scoring server;
editing this copy changes nothing except your own understanding.
"""

import jax, jax.numpy as jnp
import numpy as np

VOCAB = 1000000
EMBED_DIM = 16
SEQ_LEN = 200


def setup_inputs(seed: int = 0) -> dict:
    key = jax.random.key(seed)
    k_tab, k_idx = jax.random.split(key)
    # Pretrained word-vector table (learned parameter materialized per init_kwargs)
    table = jax.random.normal(k_tab, (VOCAB, EMBED_DIM), dtype=jnp.float32)
    words = jax.random.randint(k_idx, (SEQ_LEN,), 0, VOCAB, dtype=jnp.int64)
    return {"words": words, "table": table}


def reference(words, table):
    # Faithful translation of TextToVector.forward:
    # per-word embedding lookup (gather), stack to [L, D], then max over words.
    word_vectors = jnp.take(table, words, axis=0)  # [SEQ_LEN, EMBED_DIM]
    words_vector = jnp.max(word_vectors, axis=0)   # [EMBED_DIM]
    return words_vector

if __name__ == "__main__":
    import jax
    _d = setup_inputs()
    print(jax.jit(kernel)(*tuple(_d.values())))

</pallas_src>

<mosaic_0001>
#map = affine_map<(d0, d1) -> (0, 0)>
#map1 = affine_map<(d0, d1) -> (0)>
module attributes {stable_mosaic.version = 14 : i64} {
  func.func @_tile_body(%arg0: i32, %arg1: i32, %arg2: memref<1000000x16xf32, #tpu.memory_space<hbm>>, %arg3: memref<256xi32, #tpu.memory_space<hbm>>, %arg4: memref<16xf32, #tpu.memory_space<hbm>>, %arg5: memref<16xi32, #tpu.memory_space<vmem>>, %arg6: memref<16x16xf32, #tpu.memory_space<vmem>>, %arg7: memref<16xf32, #tpu.memory_space<vmem>>, %arg8: memref<16x16xf32, #tpu.memory_space<vmem>>, %arg9: memref<16x16xf32, #tpu.memory_space<vmem_shared>>, %arg10: memref<!tpu.dma_semaphore, #tpu.memory_space<semaphore_mem>>) attributes {dimension_semantics = [#tpu.dimension_semantics<core_parallel>, #tpu.dimension_semantics<subcore_parallel>], iteration_bounds = array<i64: 1, 16>, scalar_prefetch = 0 : i64, scratch_operands = 6 : i64, tpu.core_type = #tpu.core_type<sc_vector_subcore>, window_params = [{transform_indices = #map}, {transform_indices = #map1}, {transform_indices = #map1}]} {
    %mul3A = arith.constant 16 : i32
    %mul3A_0 = arith.muli %arg1, %mul3A : i32
    "tpu.region"() ({
      %run_scoped3A = tpu.sem_alloc : memref<!tpu.dma_semaphore, #tpu.memory_space<semaphore_mem>>
      %dma_start3A_103 = tpu.memref_slice %arg3[%mul3A_0] : memref<256xi32, #tpu.memory_space<hbm>> -> memref<16xi32, #tpu.memory_space<hbm>>
      %dma_start3A_104 = tpu.memref_slice %arg3[%mul3A_0] : memref<256xi32, #tpu.memory_space<hbm>> -> memref<16xi32, #tpu.memory_space<hbm>>
      tpu.enqueue_dma source(%dma_start3A_104 : memref<16xi32, #tpu.memory_space<hbm>>) target(%arg5 : memref<16xi32, #tpu.memory_space<vmem>>) target_semaphore(%run_scoped3A : memref<!tpu.dma_semaphore, #tpu.memory_space<semaphore_mem>>)
      %dma_wait3A_105 = tpu.memref_slice %arg3[%mul3A_0] : memref<256xi32, #tpu.memory_space<hbm>> -> memref<16xi32, #tpu.memory_space<hbm>>
      %dma_wait3A_106 = tpu.memref_slice %arg3[%mul3A_0] : memref<256xi32, #tpu.memory_space<hbm>> -> memref<16xi32, #tpu.memory_space<hbm>>
      tpu.wait_dma2 semaphore(%run_scoped3A : memref<!tpu.dma_semaphore, #tpu.memory_space<semaphore_mem>>) src(%dma_wait3A_106 : memref<16xi32, #tpu.memory_space<hbm>>) dst(%arg5 : memref<16xi32, #tpu.memory_space<vmem>>)
      tpu.yield
    }) : () -> ()
    %dma_start3A = arith.constant 0 : i32
    %dma_start3A_1 = arith.constant 0 : i32
    %dma_start3A_2 = tpu.memref_slice %arg2[%dma_start3A, %dma_start3A_1] : memref<1000000x16xf32, #tpu.memory_space<hbm>> -> memref<1000000x16xf32, #tpu.memory_space<hbm>>
    tpu.enqueue_indirect_dma source(%dma_start3A_2 : memref<1000000x16xf32, #tpu.memory_space<hbm>>) target(%arg6 : memref<16x16xf32, #tpu.memory_space<vmem>>) offsets(%arg5 : memref<16xi32, #tpu.memory_space<vmem>>) semaphore(%arg10 : memref<!tpu.dma_semaphore, #tpu.memory_space<semaphore_mem>>)
    %dma_wait3A = arith.constant 0 : i32
    %dma_wait3A_3 = arith.constant 0 : i32
    %dma_wait3A_4 = tpu.memref_slice %arg2[%dma_wait3A, %dma_wait3A_3] : memref<1000000x16xf32, #tpu.memory_space<hbm>> -> memref<1000000x16xf32, #tpu.memory_space<hbm>>
    tpu.wait_indirect_dma semaphore(%arg10 : memref<!tpu.dma_semaphore, #tpu.memory_space<semaphore_mem>>) src(%dma_wait3A_4 : memref<1000000x16xf32, #tpu.memory_space<hbm>>) dst(%arg6 : memref<16x16xf32, #tpu.memory_space<vmem>>)
    %get3A = arith.constant 0 : i32
    %get3A_5 = arith.index_cast %get3A : i32 to index
    %get3A_6 = arith.constant 0 : index
    %get3A_7 = tpu.vector_load %arg6[%get3A_5, %get3A_6] {strides = array<i32>} : memref<16x16xf32, #tpu.memory_space<vmem>>, vector<1x16xf32>,
    %get3A_8 = vector.shape_cast %get3A_7 : vector<1x16xf32> to vector<16xf32>
    %get3A_9 = arith.constant 1 : i32
    %get3A_10 = arith.index_cast %get3A_9 : i32 to index
    %get3A_11 = arith.constant 0 : index
    %get3A_12 = tpu.vector_load %arg6[%get3A_10, %get3A_11] {strides = array<i32>} : memref<16x16xf32, #tpu.memory_space<vmem>>, vector<1x16xf32>,
    %get3A_13 = vector.shape_cast %get3A_12 : vector<1x16xf32> to vector<16xf32>
    %max3A = arith.maximumf %get3A_8, %get3A_13 : vector<16xf32>
    %get3A_14 = arith.constant 2 : i32
    %get3A_15 = arith.index_cast %get3A_14 : i32 to index
    %get3A_16 = arith.constant 0 : index
    %get3A_17 = tpu.vector_load %arg6[%get3A_15, %get3A_16] {strides = array<i32>} : memref<16x16xf32, #tpu.memory_space<vmem>>, vector<1x16xf32>,
    %get3A_18 = vector.shape_cast %get3A_17 : vector<1x16xf32> to vector<16xf32>
    %max3A_19 = arith.maximumf %max3A, %get3A_18 : vector<16xf32>
    %get3A_20 = arith.constant 3 : i32
    %get3A_21 = arith.index_cast %get3A_20 : i32 to index
    %get3A_22 = arith.constant 0 : index
    %get3A_23 = tpu.vector_load %arg6[%get3A_21, %get3A_22] {strides = array<i32>} : memref<16x16xf32, #tpu.memory_space<vmem>>, vector<1x16xf32>,
    %get3A_24 = vector.shape_cast %get3A_23 : vector<1x16xf32> to vector<16xf32>
    %max3A_25 = arith.maximumf %max3A_19, %get3A_24 : vector<16xf32>
    %get3A_26 = arith.constant 4 : i32
    %get3A_27 = arith.index_cast %get3A_26 : i32 to index
    %get3A_28 = arith.constant 0 : index
    %get3A_29 = tpu.vector_load %arg6[%get3A_27, %get3A_28] {strides = array<i32>} : memref<16x16xf32, #tpu.memory_space<vmem>>, vector<1x16xf32>,
    %get3A_30 = vector.shape_cast %get3A_29 : vector<1x16xf32> to vector<16xf32>
    %max3A_31 = arith.maximumf %max3A_25, %get3A_30 : vector<16xf32>
    %get3A_32 = arith.constant 5 : i32
    %get3A_33 = arith.index_cast %get3A_32 : i32 to index
    %get3A_34 = arith.constant 0 : index
    %get3A_35 = tpu.vector_load %arg6[%get3A_33, %get3A_34] {strides = array<i32>} : memref<16x16xf32, #tpu.memory_space<vmem>>, vector<1x16xf32>,
    %get3A_36 = vector.shape_cast %get3A_35 : vector<1x16xf32> to vector<16xf32>
    %max3A_37 = arith.maximumf %max3A_31, %get3A_36 : vector<16xf32>
    %get3A_38 = arith.constant 6 : i32
    %get3A_39 = arith.index_cast %get3A_38 : i32 to index
    %get3A_40 = arith.constant 0 : index
    %get3A_41 = tpu.vector_load %arg6[%get3A_39, %get3A_40] {strides = array<i32>} : memref<16x16xf32, #tpu.memory_space<vmem>>, vector<1x16xf32>,
    %get3A_42 = vector.shape_cast %get3A_41 : vector<1x16xf32> to vector<16xf32>
    %max3A_43 = arith.maximumf %max3A_37, %get3A_42 : vector<16xf32>
    %get3A_44 = arith.constant 7 : i32
    %get3A_45 = arith.index_cast %get3A_44 : i32 to index
    %get3A_46 = arith.constant 0 : index
    %get3A_47 = tpu.vector_load %arg6[%get3A_45, %get3A_46] {strides = array<i32>} : memref<16x16xf32, #tpu.memory_space<vmem>>, vector<1x16xf32>,
    %get3A_48 = vector.shape_cast %get3A_47 : vector<1x16xf32> to vector<16xf32>
    %max3A_49 = arith.maximumf %max3A_43, %get3A_48 : vector<16xf32>
    %get3A_50 = arith.constant 8 : i32
    %get3A_51 = arith.index_cast %get3A_50 : i32 to index
    %get3A_52 = arith.constant 0 : index
    %get3A_53 = tpu.vector_load %arg6[%get3A_51, %get3A_52] {strides = array<i32>} : memref<16x16xf32, #tpu.memory_space<vmem>>, vector<1x16xf32>,
    %get3A_54 = vector.shape_cast %get3A_53 : vector<1x16xf32> to vector<16xf32>
    %max3A_55 = arith.maximumf %max3A_49, %get3A_54 : vector<16xf32>
    %get3A_56 = arith.constant 9 : i32
    %get3A_57 = arith.index_cast %get3A_56 : i32 to index
    %get3A_58 = arith.constant 0 : index
    %get3A_59 = tpu.vector_load %arg6[%get3A_57, %get3A_58] {strides = array<i32>} : memref<16x16xf32, #tpu.memory_space<vmem>>, vector<1x16xf32>,
    %get3A_60 = vector.shape_cast %get3A_59 : vector<1x16xf32> to vector<16xf32>
    %max3A_61 = arith.maximumf %max3A_55, %get3A_60 : vector<16xf32>
    %get3A_62 = arith.constant 10 : i32
    %get3A_63 = arith.index_cast %get3A_62 : i32 to index
    %get3A_64 = arith.constant 0 : index
    %get3A_65 = tpu.vector_load %arg6[%get3A_63, %get3A_64] {strides = array<i32>} : memref<16x16xf32, #tpu.memory_space<vmem>>, vector<1x16xf32>,
    %get3A_66 = vector.shape_cast %get3A_65 : vector<1x16xf32> to vector<16xf32>
    %max3A_67 = arith.maximumf %max3A_61, %get3A_66 : vector<16xf32>
    %get3A_68 = arith.constant 11 : i32
    %get3A_69 = arith.index_cast %get3A_68 : i32 to index
    %get3A_70 = arith.constant 0 : index
    %get3A_71 = tpu.vector_load %arg6[%get3A_69, %get3A_70] {strides = array<i32>} : memref<16x16xf32, #tpu.memory_space<vmem>>, vector<1x16xf32>,
    %get3A_72 = vector.shape_cast %get3A_71 : vector<1x16xf32> to vector<16xf32>
    %max3A_73 = arith.maximumf %max3A_67, %get3A_72 : vector<16xf32>
    %get3A_74 = arith.constant 12 : i32
    %get3A_75 = arith.index_cast %get3A_74 : i32 to index
    %get3A_76 = arith.constant 0 : index
    %get3A_77 = tpu.vector_load %arg6[%get3A_75, %get3A_76] {strides = array<i32>} : memref<16x16xf32, #tpu.memory_space<vmem>>, vector<1x16xf32>,
    %get3A_78 = vector.shape_cast %get3A_77 : vector<1x16xf32> to vector<16xf32>
    %max3A_79 = arith.maximumf %max3A_73, %get3A_78 : vector<16xf32>
    %get3A_80 = arith.constant 13 : i32
    %get3A_81 = arith.index_cast %get3A_80 : i32 to index
    %get3A_82 = arith.constant 0 : index
    %get3A_83 = tpu.vector_load %arg6[%get3A_81, %get3A_82] {strides = array<i32>} : memref<16x16xf32, #tpu.memory_space<vmem>>, vector<1x16xf32>,
    %get3A_84 = vector.shape_cast %get3A_83 : vector<1x16xf32> to vector<16xf32>
    %max3A_85 = arith.maximumf %max3A_79, %get3A_84 : vector<16xf32>
    %get3A_86 = arith.constant 14 : i32
    %get3A_87 = arith.index_cast %get3A_86 : i32 to index
    %get3A_88 = arith.constant 0 : index
    %get3A_89 = tpu.vector_load %arg6[%get3A_87, %get3A_88] {strides = array<i32>} : memref<16x16xf32, #tpu.memory_space<vmem>>, vector<1x16xf32>,
    %get3A_90 = vector.shape_cast %get3A_89 : vector<1x16xf32> to vector<16xf32>
    %max3A_91 = arith.maximumf %max3A_85, %get3A_90 : vector<16xf32>
    %get3A_92 = arith.constant 15 : i32
    %get3A_93 = arith.index_cast %get3A_92 : i32 to index
    %get3A_94 = arith.constant 0 : index
    %get3A_95 = tpu.vector_load %arg6[%get3A_93, %get3A_94] {strides = array<i32>} : memref<16x16xf32, #tpu.memory_space<vmem>>, vector<1x16xf32>,
    %get3A_96 = vector.shape_cast %get3A_95 : vector<1x16xf32> to vector<16xf32>
    %max3A_97 = arith.maximumf %max3A_91, %get3A_96 : vector<16xf32>
    %swap3A = arith.constant 0 : index
    %swap3A_98 = tpu.vector_load %arg7[%swap3A] {strides = array<i32>} : memref<16xf32, #tpu.memory_space<vmem>>, vector<16xf32>,
    %swap3A_99 = vector.shape_cast %swap3A_98 : vector<16xf32> to vector<16xf32>
    %swap3A_100 = vector.shape_cast %max3A_97 : vector<16xf32> to vector<16xf32>
    tpu.vector_store %arg7[%swap3A], %swap3A_100 {strides = array<i32>} : memref<16xf32, #tpu.memory_space<vmem>>, vector<16xf32>,
    "tpu.region"() ({
      %run_scoped3A = tpu.sem_alloc : memref<!tpu.dma_semaphore, #tpu.memory_space<semaphore_mem>>
      %dma_start3A_103 = arith.constant 0 : i32
      %dma_start3A_104 = tpu.memref_slice %arg9[%arg1, %dma_start3A_103] : memref<16x16xf32, #tpu.memory_space<vmem_shared>> -> memref<1x16xf32, #tpu.memory_space<vmem_shared>>
      %dma_start3A_105 = tpu.memref_squeeze %dma_start3A_104 : memref<1x16xf32, #tpu.memory_space<vmem_shared>> -> memref<16xf32, #tpu.memory_space<vmem_shared>>
      %dma_start3A_106 = arith.constant 0 : i32
      %dma_start3A_107 = tpu.memref_slice %arg9[%arg1, %dma_start3A_106] : memref<16x16xf32, #tpu.memory_space<vmem_shared>> -> memref<1x16xf32, #tpu.memory_space<vmem_shared>>
      %dma_start3A_108 = tpu.memref_squeeze %dma_start3A_107 : memref<1x16xf32, #tpu.memory_space<vmem_shared>> -> memref<16xf32, #tpu.memory_space<vmem_shared>>
      tpu.enqueue_dma source(%arg7 : memref<16xf32, #tpu.memory_space<vmem>>) target(%dma_start3A_108 : memref<16xf32, #tpu.memory_space<vmem_shared>>) target_semaphore(%run_scoped3A : memref<!tpu.dma_semaphore, #tpu.memory_space<semaphore_mem>>)
      %dma_wait3A_109 = arith.constant 0 : i32
      %dma_wait3A_110 = tpu.memref_slice %arg9[%arg1, %dma_wait3A_109] : memref<16x16xf32, #tpu.memory_space<vmem_shared>> -> memref<1x16xf32, #tpu.memory_space<vmem_shared>>
      %dma_wait3A_111 = tpu.memref_squeeze %dma_wait3A_110 : memref<1x16xf32, #tpu.memory_space<vmem_shared>> -> memref<16xf32, #tpu.memory_space<vmem_shared>>
      %dma_wait3A_112 = arith.constant 0 : i32
      %dma_wait3A_113 = tpu.memref_slice %arg9[%arg1, %dma_wait3A_112] : memref<16x16xf32, #tpu.memory_space<vmem_shared>> -> memref<1x16xf32, #tpu.memory_space<vmem_shared>>
      %dma_wait3A_114 = tpu.memref_squeeze %dma_wait3A_113 : memref<1x16xf32, #tpu.memory_space<vmem_shared>> -> memref<16xf32, #tpu.memory_space<vmem_shared>>
      tpu.wait_dma2 semaphore(%run_scoped3A : memref<!tpu.dma_semaphore, #tpu.memory_space<semaphore_mem>>) src(%arg7 : memref<16xf32, #tpu.memory_space<vmem>>) dst(%dma_wait3A_114 : memref<16xf32, #tpu.memory_space<vmem_shared>>)
      tpu.yield
    }) : () -> ()
    %barrier3A = arith.constant 0 : index
    tpu.barrier barrier_id(%barrier3A)
    %eq3A = arith.constant 0 : i32
    %eq3A_101 = arith.cmpi eq, %arg1, %eq3A : i32
    %convert_element_type3A = arith.extui %eq3A_101 : i1 to i32
    %cond3A = arith.constant 0 : i32
    %cond3A_102 = arith.cmpi ne, %convert_element_type3A, %cond3A : i32
    scf.if %cond3A_102 {
      "tpu.region"() ({
        %run_scoped3A = tpu.sem_alloc : memref<!tpu.dma_semaphore, #tpu.memory_space<semaphore_mem>>
        tpu.enqueue_dma source(%arg9 : memref<16x16xf32, #tpu.memory_space<vmem_shared>>) target(%arg8 : memref<16x16xf32, #tpu.memory_space<vmem>>) target_semaphore(%run_scoped3A : memref<!tpu.dma_semaphore, #tpu.memory_space<semaphore_mem>>)
        tpu.wait_dma2 semaphore(%run_scoped3A : memref<!tpu.dma_semaphore, #tpu.memory_space<semaphore_mem>>) src(%arg9 : memref<16x16xf32, #tpu.memory_space<vmem_shared>>) dst(%arg8 : memref<16x16xf32, #tpu.memory_space<vmem>>)
        tpu.yield
      }) : () -> ()
      %get3A_103 = arith.constant 0 : i32
      %get3A_104 = arith.index_cast %get3A_103 : i32 to index
      %get3A_105 = arith.constant 0 : index
      %get3A_106 = tpu.vector_load %arg8[%get3A_104, %get3A_105] {strides = array<i32>} : memref<16x16xf32, #tpu.memory_space<vmem>>, vector<1x16xf32>,
      %get3A_107 = vector.shape_cast %get3A_106 : vector<1x16xf32> to vector<16xf32>
      %get3A_108 = arith.constant 1 : i32
      %get3A_109 = arith.index_cast %get3A_108 : i32 to index
      %get3A_110 = arith.constant 0 : index
      %get3A_111 = tpu.vector_load %arg8[%get3A_109, %get3A_110] {strides = array<i32>} : memref<16x16xf32, #tpu.memory_space<vmem>>, vector<1x16xf32>,
      %get3A_112 = vector.shape_cast %get3A_111 : vector<1x16xf32> to vector<16xf32>
      %max3A_113 = arith.maximumf %get3A_107, %get3A_112 : vector<16xf32>
      %get3A_114 = arith.constant 2 : i32
      %get3A_115 = arith.index_cast %get3A_114 : i32 to index
      %get3A_116 = arith.constant 0 : index
      %get3A_117 = tpu.vector_load %arg8[%get3A_115, %get3A_116] {strides = array<i32>} : memref<16x16xf32, #tpu.memory_space<vmem>>, vector<1x16xf32>,
      %get3A_118 = vector.shape_cast %get3A_117 : vector<1x16xf32> to vector<16xf32>
      %max3A_119 = arith.maximumf %max3A_113, %get3A_118 : vector<16xf32>
      %get3A_120 = arith.constant 3 : i32
      %get3A_121 = arith.index_cast %get3A_120 : i32 to index
      %get3A_122 = arith.constant 0 : index
      %get3A_123 = tpu.vector_load %arg8[%get3A_121, %get3A_122] {strides = array<i32>} : memref<16x16xf32, #tpu.memory_space<vmem>>, vector<1x16xf32>,
      %get3A_124 = vector.shape_cast %get3A_123 : vector<1x16xf32> to vector<16xf32>
      %max3A_125 = arith.maximumf %max3A_119, %get3A_124 : vector<16xf32>
      %get3A_126 = arith.constant 4 : i32
      %get3A_127 = arith.index_cast %get3A_126 : i32 to index
      %get3A_128 = arith.constant 0 : index
      %get3A_129 = tpu.vector_load %arg8[%get3A_127, %get3A_128] {strides = array<i32>} : memref<16x16xf32, #tpu.memory_space<vmem>>, vector<1x16xf32>,
      %get3A_130 = vector.shape_cast %get3A_129 : vector<1x16xf32> to vector<16xf32>
      %max3A_131 = arith.maximumf %max3A_125, %get3A_130 : vector<16xf32>
      %get3A_132 = arith.constant 5 : i32
      %get3A_133 = arith.index_cast %get3A_132 : i32 to index
      %get3A_134 = arith.constant 0 : index
      %get3A_135 = tpu.vector_load %arg8[%get3A_133, %get3A_134] {strides = array<i32>} : memref<16x16xf32, #tpu.memory_space<vmem>>, vector<1x16xf32>,
      %get3A_136 = vector.shape_cast %get3A_135 : vector<1x16xf32> to vector<16xf32>
      %max3A_137 = arith.maximumf %max3A_131, %get3A_136 : vector<16xf32>
      %get3A_138 = arith.constant 6 : i32
      %get3A_139 = arith.index_cast %get3A_138 : i32 to index
      %get3A_140 = arith.constant 0 : index
      %get3A_141 = tpu.vector_load %arg8[%get3A_139, %get3A_140] {strides = array<i32>} : memref<16x16xf32, #tpu.memory_space<vmem>>, vector<1x16xf32>,
      %get3A_142 = vector.shape_cast %get3A_141 : vector<1x16xf32> to vector<16xf32>
      %max3A_143 = arith.maximumf %max3A_137, %get3A_142 : vector<16xf32>
      %get3A_144 = arith.constant 7 : i32
      %get3A_145 = arith.index_cast %get3A_144 : i32 to index
      %get3A_146 = arith.constant 0 : index
      %get3A_147 = tpu.vector_load %arg8[%get3A_145, %get3A_146] {strides = array<i32>} : memref<16x16xf32, #tpu.memory_space<vmem>>, vector<1x16xf32>,
      %get3A_148 = vector.shape_cast %get3A_147 : vector<1x16xf32> to vector<16xf32>
      %max3A_149 = arith.maximumf %max3A_143, %get3A_148 : vector<16xf32>
      %get3A_150 = arith.constant 8 : i32
      %get3A_151 = arith.index_cast %get3A_150 : i32 to index
      %get3A_152 = arith.constant 0 : index
      %get3A_153 = tpu.vector_load %arg8[%get3A_151, %get3A_152] {strides = array<i32>} : memref<16x16xf32, #tpu.memory_space<vmem>>, vector<1x16xf32>,
      %get3A_154 = vector.shape_cast %get3A_153 : vector<1x16xf32> to vector<16xf32>
      %max3A_155 = arith.maximumf %max3A_149, %get3A_154 : vector<16xf32>
      %get3A_156 = arith.constant 9 : i32
      %get3A_157 = arith.index_cast %get3A_156 : i32 to index
      %get3A_158 = arith.constant 0 : index
      %get3A_159 = tpu.vector_load %arg8[%get3A_157, %get3A_158] {strides = array<i32>} : memref<16x16xf32, #tpu.memory_space<vmem>>, vector<1x16xf32>,
      %get3A_160 = vector.shape_cast %get3A_159 : vector<1x16xf32> to vector<16xf32>
      %max3A_161 = arith.maximumf %max3A_155, %get3A_160 : vector<16xf32>
      %get3A_162 = arith.constant 10 : i32
      %get3A_163 = arith.index_cast %get3A_162 : i32 to index
      %get3A_164 = arith.constant 0 : index
      %get3A_165 = tpu.vector_load %arg8[%get3A_163, %get3A_164] {strides = array<i32>} : memref<16x16xf32, #tpu.memory_space<vmem>>, vector<1x16xf32>,
      %get3A_166 = vector.shape_cast %get3A_165 : vector<1x16xf32> to vector<16xf32>
      %max3A_167 = arith.maximumf %max3A_161, %get3A_166 : vector<16xf32>
      %get3A_168 = arith.constant 11 : i32
      %get3A_169 = arith.index_cast %get3A_168 : i32 to index
      %get3A_170 = arith.constant 0 : index
      %get3A_171 = tpu.vector_load %arg8[%get3A_169, %get3A_170] {strides = array<i32>} : memref<16x16xf32, #tpu.memory_space<vmem>>, vector<1x16xf32>,
      %get3A_172 = vector.shape_cast %get3A_171 : vector<1x16xf32> to vector<16xf32>
      %max3A_173 = arith.maximumf %max3A_167, %get3A_172 : vector<16xf32>
      %get3A_174 = arith.constant 12 : i32
      %get3A_175 = arith.index_cast %get3A_174 : i32 to index
      %get3A_176 = arith.constant 0 : index
      %get3A_177 = tpu.vector_load %arg8[%get3A_175, %get3A_176] {strides = array<i32>} : memref<16x16xf32, #tpu.memory_space<vmem>>, vector<1x16xf32>,
      %get3A_178 = vector.shape_cast %get3A_177 : vector<1x16xf32> to vector<16xf32>
      %max3A_179 = arith.maximumf %max3A_173, %get3A_178 : vector<16xf32>
      %get3A_180 = arith.constant 13 : i32
      %get3A_181 = arith.index_cast %get3A_180 : i32 to index
      %get3A_182 = arith.constant 0 : index
      %get3A_183 = tpu.vector_load %arg8[%get3A_181, %get3A_182] {strides = array<i32>} : memref<16x16xf32, #tpu.memory_space<vmem>>, vector<1x16xf32>,
      %get3A_184 = vector.shape_cast %get3A_183 : vector<1x16xf32> to vector<16xf32>
      %max3A_185 = arith.maximumf %max3A_179, %get3A_184 : vector<16xf32>
      %get3A_186 = arith.constant 14 : i32
      %get3A_187 = arith.index_cast %get3A_186 : i32 to index
      %get3A_188 = arith.constant 0 : index
      %get3A_189 = tpu.vector_load %arg8[%get3A_187, %get3A_188] {strides = array<i32>} : memref<16x16xf32, #tpu.memory_space<vmem>>, vector<1x16xf32>,
      %get3A_190 = vector.shape_cast %get3A_189 : vector<1x16xf32> to vector<16xf32>
      %max3A_191 = arith.maximumf %max3A_185, %get3A_190 : vector<16xf32>
      %get3A_192 = arith.constant 15 : i32
      %get3A_193 = arith.index_cast %get3A_192 : i32 to index
      %get3A_194 = arith.constant 0 : index
      %get3A_195 = tpu.vector_load %arg8[%get3A_193, %get3A_194] {strides = array<i32>} : memref<16x16xf32, #tpu.memory_space<vmem>>, vector<1x16xf32>,
      %get3A_196 = vector.shape_cast %get3A_195 : vector<1x16xf32> to vector<16xf32>
      %max3A_197 = arith.maximumf %max3A_191, %get3A_196 : vector<16xf32>
      %swap3A_198 = arith.constant 0 : index
      %swap3A_199 = tpu.vector_load %arg7[%swap3A_198] {strides = array<i32>} : memref<16xf32, #tpu.memory_space<vmem>>, vector<16xf32>,
      %swap3A_200 = vector.shape_cast %swap3A_199 : vector<16xf32> to vector<16xf32>
      %swap3A_201 = vector.shape_cast %max3A_197 : vector<16xf32> to vector<16xf32>
      tpu.vector_store %arg7[%swap3A_198], %swap3A_201 {strides = array<i32>} : memref<16xf32, #tpu.memory_space<vmem>>, vector<16xf32>,
      "tpu.region"() ({
        %run_scoped3A = tpu.sem_alloc : memref<!tpu.dma_semaphore, #tpu.memory_space<semaphore_mem>>
        tpu.enqueue_dma source(%arg7 : memref<16xf32, #tpu.memory_space<vmem>>) target(%arg4 : memref<16xf32, #tpu.memory_space<hbm>>) target_semaphore(%run_scoped3A : memref<!tpu.dma_semaphore, #tpu.memory_space<semaphore_mem>>)
        tpu.wait_dma2 semaphore(%run_scoped3A : memref<!tpu.dma_semaphore, #tpu.memory_space<semaphore_mem>>) src(%arg7 : memref<16xf32, #tpu.memory_space<vmem>>) dst(%arg4 : memref<16xf32, #tpu.memory_space<hbm>>)
        tpu.yield
      }) : () -> ()
    } else {
    }
    return
  }
}

</mosaic_0001>

<sc_bundles>
// kernel: kernel.3.cloned.1.call-start
scs
__scs_entry_jumppad:
0x0: {  	(pc) =	sbr.rel $0x88, $3  }
0x1: {  	(tag) =	ssettag $0x0;
	lr =	simm.s32 $0x1  }
0x2: {  	[smem:$0x3F9F] =	sst lr;
	_ =	strace $0xD0000000  }
0x3: {  	_ = 	snop  }
0x4: {  	_ = 	snop  }
0x5: {  	_ = 	snop  }
0x6: {  	_ = 	snop  }
0x7: {  	_ = 	snop  }
__scs_overlays_trampoline_lowered:
0x8: {  	[smem:$0x3FAE] =	sst s0  }
0x9: {  	[smem:$0x3FAF] =	sst s1  }
0xa: {  	[smem:$0x3FB0] =	sst s2  }
0xb: {  	[smem:$0x3FB1] =	sst s3  }
0xc: {  	[smem:$0x3FB2] =	sst s4  }
0xd: {  	[smem:$0x3FB3] =	sst s5  }
0xe: {  	[smem:$0x3FB4] =	sst s6  }
0xf: {  	[smem:$0x3FB5] =	sst s7  }
0x10: {  	[smem:$0x3FB6] =	sst s8  }
0x11: {  	[smem:$0x3FB7] =	sst s9;
	s0 =	simm.s32 @!p0 $0x0  }
0x12: {  	s1 =	sld [smem:$0x3F9D];
	s0 =	simm.s32 @p0 $0x1  }
0x13: {  	[smem:$0x3FB8] =	sst s0;
	s0 =	simm.s32 @!p1 $0x0  }
0x14: {  	s2 =	sld [smem:$0x3F9C];
	s0 =	simm.s32 @p1 $0x1  }
0x15: {  	[smem:$0x3FB9] =	sst s0;
	s0 =	simm.s32 @!p2 $0x0  }
0x16: {  	s3 =	sld [smem:$0x3FDB];
	s0 =	simm.s32 @p2 $0x1  }
0x17: {  	s4 =	simm.s32 $0x1BF5;
	[smem:$0x3FBB] =	sst s0  }
0x18: {  	s0 =	sld [smem:$0x3F9E];
	_ =	swait.ge [sflag:s4], $0x0  }
0x19: {  	s7 =	sld [smem:$0x3F9F]  }
0x1a: {  	s8 =	sadd.s32 $0xFFFFE003, lr  }
0x1b: {  	s9 =	sadd.s32 $0xFFFFFEF7, lr;
	s5 =	simm.s32 $0xFFFFFFFF;
	p2 =	slt.u32 s8, $0xFFFFF086  }
0x1c: {  	p1 =	slt.u32 s9, $0xF7A;
	s5 =	simm.s32 @!p2 $0x0  }
0x1d: {  	s5 =	simm.s32 @p1 $0x1;
	p0 =	seq.s32 s7, s2  }
0x1e: {  	s7 =	smul.u32 @!p0 $0xF7A, s2;
	p2 =	seq.s32 @!p0 s5, $0x0  }
0x1f: {  	s9 =	smul.u32 $0xF7A, s1;
	s8 =	simm.s32 @!p0 $0x1BF5;
	p2 =	por !p2, p0  }
0x20: {  	[sflag:s8] =	ssyncset.s32 @!p0 $0xFFFFF086;
	s6 =	sadd.s32 @!p0 s3, s7;
	s7 =	simm.s32 @!p0 $0x108  }
0x21: {  	s3 =	sadd.s32 s3, s9;
	s6 =	sadd.s32 @!p0 $0x88, s6;
	s7 =	simm.s32 @p2 $0x1082  }
0x22: {  	[simem:s7], [sflag:s8] =	dma.local @!p0 [hbm:s6], $0xF7A  }
0x23: {  	s9 =	sor.u32 $0xD0000000, s2;
	s6 =	simm.s32 $0x108;
	_ =	swait.ge @!p0 [sflag:s8], $0x0  }
0x24: {  	s3 =	sadd.s32 $0x88, s3;
	s6 =	simm.s32 @!p1 $0x1082;
	[sflag:s4] =	ssyncset.s32 $0xFFFFF086  }
0x25: {  	[simem:s6], [sflag:s4] =	dma.local [hbm:s3], $0xF7A  }
0x26: {  	[smem:$0x3F9F] =	sst s1;
	(tag) =	ssettag s2;
	_ =	strace s9  }
0x27: {  	s1 =	sld [smem:$0x3FAF]  }
0x28: {  	s2 =	sld [smem:$0x3FB0]  }
0x29: {  	s4 =	sld [smem:$0x3FB2]  }
0x2a: {  	p0 =	seq.s32 s5, $0x0;
	s5 =	sld [smem:$0x3FB3]  }
0x2b: {  	s6 =	sld [smem:$0x3FB4]  }
0x2c: {  	s7 =	sld [smem:$0x3FB5]  }
0x2d: {  	s3 =	simm.s32 $0x108;
	s8 =	sld [smem:$0x3FB6]  }
0x2e: {  	s3 =	simm.s32 @!p0 $0x1082;
	s9 =	sld [smem:$0x3FB7]  }
0x2f: {  	lr =	sadd.s32 s0, s3;
	s0 =	sld [smem:$0x3FAE]  }
0x30: {  	s3 =	sld [smem:$0x3FB1]  }
0x31: {  	[smem:$0x3FBA] =	sst s10  }
0x32: {  	s10 =	sld [smem:$0x3FB8];
	_ =	sdelay $0x3  }
0x33: {  	p0 =	seq.s32 s10, $0x1;
	s10 =	sld [smem:$0x3FBA];
	_ =	sdelay $0x3  }
0x34: {  	[smem:$0x3FBA] =	sst s10  }
0x35: {  	s10 =	sld [smem:$0x3FB9];
	_ =	sdelay $0x3  }
0x36: {  	p1 =	seq.s32 s10, $0x1;
	s10 =	sld [smem:$0x3FBA];
	_ =	sdelay $0x3  }
0x37: {  	[smem:$0x3FBA] =	sst s10  }
0x38: {  	s10 =	sld [smem:$0x3FBB]  }
0x39: {  	_ = 	snop;
	(pc) =	sbr.ind lr, $3  }
0x3a: {  	_ = 	snop  }
0x3b: {  	_ = 	snop  }
0x3c: {  	p2 =	seq.s32 s10, $0x1;
	s10 =	sld [smem:$0x3FBA]  }
0x3d: {  	_ =	shalt  }
0x3e: {  	_ =	shalt  }
0x3f: {  	_ =	shalt  }
0x40: {  	_ =	shalt  }
0x41: {  	_ =	shalt  }
0x42: {  	_ =	shalt  }
0x43: {  	_ =	shalt  }
0x44: {  	_ =	shalt  }
0x45: {  	_ =	shalt  }
0x46: {  	_ =	shalt  }
0x47: {  	_ =	shalt  }
0x48: {  	_ =	shalt  }
0x49: {  	_ =	shalt  }
0x4a: {  	_ =	shalt  }
0x4b: {  	_ =	shalt  }
0x4c: {  	_ =	shalt  }
0x4d: {  	_ =	shalt  }
0x4e: {  	_ =	shalt  }
0x4f: {  	_ =	shalt  }
0x50: {  	_ =	shalt  }
0x51: {  	_ =	shalt  }
0x52: {  	_ =	shalt  }
0x53: {  	_ =	shalt  }
0x54: {  	_ =	shalt  }
0x55: {  	_ =	shalt  }
0x56: {  	_ =	shalt  }
0x57: {  	_ =	shalt  }
0x58: {  	_ =	shalt  }
0x59: {  	_ =	shalt  }
0x5a: {  	_ =	shalt  }
0x5b: {  	_ =	shalt  }
0x5c: {  	_ =	shalt  }
0x5d: {  	_ =	shalt  }
0x5e: {  	_ =	shalt  }
0x5f: {  	_ =	shalt  }
0x60: {  	_ =	shalt  }
0x61: {  	_ =	shalt  }
0x62: {  	_ =	shalt  }
0x63: {  	_ =	shalt  }
0x64: {  	_ =	shalt  }
0x65: {  	_ =	shalt  }
0x66: {  	_ =	shalt  }
0x67: {  	_ =	shalt  }
0x68: {  	_ =	shalt  }
0x69: {  	_ =	shalt  }
0x6a: {  	_ =	shalt  }
0x6b: {  	_ =	shalt  }
0x6c: {  	_ =	shalt  }
0x6d: {  	_ =	shalt  }
0x6e: {  	_ =	shalt  }
0x6f: {  	_ =	shalt  }
0x70: {  	_ =	shalt  }
0x71: {  	_ =	shalt  }
0x72: {  	_ =	shalt  }
0x73: {  	_ =	shalt  }
0x74: {  	_ =	shalt  }
0x75: {  	_ =	shalt  }
0x76: {  	_ =	shalt  }
0x77: {  	_ =	shalt  }
0x78: {  	_ =	shalt  }
0x79: {  	_ =	shalt  }
0x7a: {  	_ =	shalt  }
0x7b: {  	_ =	shalt  }
0x7c: {  	_ =	shalt  }
0x7d: {  	_ =	shalt  }
0x7e: {  	_ =	shalt  }
0x7f: {  	_ =	shalt  }
0x80: {  	_ =	shalt  }
0x81: {  	_ =	shalt  }
0x82: {  	_ =	shalt  }
0x83: {  	_ =	shalt  }
0x84: {  	_ =	shalt  }
0x85: {  	_ =	shalt  }
0x86: {  	_ =	shalt  }
0x87: {  	_ =	shalt  }
.Lfunc_end0:
.L_simem_size_0:
called_computation_lowered:
.L_overlay_start_0:
0x88: {  	s0 =	sld [smem:$0x3FD9]  }
0x89: {  	s1 =	sld [smem:$0x3FFE];
	_ =	sdelay $0x3  }
0x8a: {  	s0 =	sadd.s32 s1, s0  }
0x8b: {  	[smem:$0x3FC6] =	sst s0  }
0x8c: {  	_ = 	snop  }
0x8d: {  	s0 =	sld [smem:$0x3FD0];
	(tm) =	ssettm $0x1  }
0x8e: {  	s16 =	sld [smem:$0x3FFB];
	_ =	sdelay $0x3  }
0x8f: {  	_ =	strace s16  }
0x90: {  	s1 =	sld [smem:$0x3FFC];
	_ =	sdelay $0x3  }
0x91: {  	_ =	strace s1  }
0x92: {  	s1 =	sld [smem:$0x3FFD];
	_ =	sdelay $0x3  }
0x93: {  	_ =	strace s1  }
0x94: {  	_ =	strace $0x8FFFFFFF  }
0x95: {  	s17 =	sld [smem:$0x3FDB];
	_ =	sdelay $0x1  }
0x96: {  	s2 =	simm.s32 $_scs_section_size  }
0x97: {  	s3 =	simm.s32 $_size__tile_overlayer_lowered;
	s4 =	simm.s32 $_tile_overlayer_lowered  }
0x98: {  	s20 =	simm.s32 $0x1BFF;
	s19 =	sshll.u32 s4, $0x1;
	s1 =	sadd.s32 s2, s17  }
0x99: {  	s5 =	simm.s32 $0x0;
	s18 =	sshll.u32 s3, $0x1;
	s3 =	sadd.s32 s19, s1  }
0x9a: {  	[timem:s5], [sflag:s20] =	dma.local [hbm:s3], s18  }
0x9b: {  	_ =	swait.ge [sflag:s20], s18  }
0x9c: {  	s2 =	ssub.s32 $0x0, s18;
	[sflag:s20] =	ssyncset.done $0x0  }
0x9d: {  	[sflag:s20] =	ssyncadd.s32 s2;
	_ =	sdelay $0x1  }
0x9e: {  	s21 =	simm.s32 $0x1B8B  }
0x9f: {  	_ =	swait.ge [sflag:s21], $0x1  }
0xa0: {  	[sflag:s21] =	ssyncset.done $0x0  }
0xa1: {  	s23 =	simm.s32 $0x1B8E;
	s22 =	sld [smem:$0x3FFE];
	[sflag:s21] =	ssyncadd.s32 $0xFFFFFFFF  }
0xa2: {  	s24 =	simm.s32 $execute0_lowered;
	[smem:$0x3FD2] =	sst s23  }
0xa3: {  	s3 =	sshll.u32 s24, $0x1;
	_ =	strace $0x80000046;
	[dreg:$0x1] =	wrdreg $0xFFFFFFFF  }
0xa4: {  	s25 =	simm.s32 $_size_execute0_lowered;
	s1 =	sadd.s32 s1, s3;
	[dreg:$0x0] =	wrdreg $0x0  }
0xa5: {  	s3 =	sshll.u32 s25, $0x1;
	[dreg:$0x2] =	wrdreg s1  }
0xa6: {  	[dreg:$0x3] =	wrdreg s3  }
0xa7: {  	[dreg:$0x4] =	wrdreg $0xC0  }
0xa8: {  	_ =	task [dreg:s5], $0x5FFFF  }
0xa9: {  	[dreg:$0x1] =	wrdreg $0xFFFFFFFF  }
0xaa: {  	[dreg:$0x0] =	wrdreg $0x60  }
0xab: {  	[dreg:$0x2] =	wrdreg s22  }
0xac: {  	[dreg:$0x3] =	wrdreg s0  }
0xad: {  	[dreg:$0x4] =	wrdreg $0x2200  }
0xae: {  	[dreg:$0x5] =	wrdreg $0x9  }
0xaf: {  	_ =	task.clear_ibuf [dreg:s5], $0x6FFFF;
	_ =	strace $0x90000046  }
0xb0: {  	s26 =	simm.s32 $0x9;
	_ =	strace $0x80000048  }
0xb1: {  	_ =	swait.ge [sflag:s26], $0x1  }
0xb2: {  	[sflag:s26] =	ssyncadd.s32 $0xFFFFFFFF  }
0xb3: {  	_ =	strace $0x90000048  }
0xb4: {  	_ =	sfence  }
0xb5: {  	s28 =	sld [smem:$0x0];
	_ =	sdelay $0x1  }
0xb6: {  	s29 =	srdreg.scid  }
0xb7: {  	s30 =	sshll.u32 s29, $0xD;
	s31 =	sshrl.u32 s29, $0x2  }
0xb8: {  	s2 =	sand.u32 $0x4000, s30;
	s1 =	sand.u32 $0x1, s29;
	s0 =	sadd.s32 s31, s28  }
0xb9: {  	s1 =	sor.u32 s2, s1;
	s0 =	sshll.u32 s0, $0x11  }
0xba: {  	s0 =	sor.u32 s0, s1  }
0xbb: {  	s0 =	sadd.s32 $0x8F2B, s0  }
0xbc: {  	[sflag:s0] =	ssyncadd.remote.s32 $0x1  }
0xbd: {  	_ =	sfence.sel $0xFFFF  }
0xbe: {  	[dreg:$0x0] =	wrdreg $0xFFFFFFFF;
	(pc) =	sbr.abs _section_cstart, $3  }
0xbf: {  	[dreg:$0x1] =	wrdreg $0xFFFFFFFF  }
0xc0: {  	_ =	task.clear_ibuf [dreg:s5], $0x2FFFF;
	_ =	strace $0x9FFFFFFF  }
0xc1: {  	(tm) =	ssettm $0x7FFFFFFF  }
tec
execute0_lowered:
.L_overlay_start_1:
0x0: {  	(tag) =	ssettag $0x1  }
0x1: {  	s3 =	rddreg [dreg:$0x0]  }
0x2: {  	s1 =	rddreg [dreg:$0x1]  }
0x3: {  	s2 =	rddreg [dreg:$0x2];
	s4 =	stileid.u32  }
0x4: {  	s0 =	rddreg [dreg:$0x3];
	s5 =	simm.s32 $0x0;
	s6 =	sshll.u32 s4, $0x1  }
0x5: {  	[smem:$0x7FF] =	sst s5;
	s6 =	sadd.s32 s6, s3  }
0x6: {  	s28 =	simm.s32 $0x2;
	_ =	strace $0x80000047;
	s6 =	sadd.s32 $0x600, s6  }
0x7: {  	[tilespmem:s5], [sflag:$0x2] =	stream.linear.gather [hbm4b:s6+s5], $0x10, $0x38;
	[tilespmem:$0x230] =	vst v63  }
0x8: {  	_ =	swait.ge [sflag:s28], $0x10  }
0x9: {  	s7 =	simm.s32 $0x10;
	[sflag:s28] =	ssyncset.done $0x0  }
0xa: {  	s29 =	simm.s32 $0x1;
	s3 =	sadd.s32 $0xF42A00, s3;
	[sflag:s28] =	ssyncadd.s32 $0xFFFFFFF0  }
0xb: {  	[tilespmem:s7], [sflag:$0x1] =	stream.indirect.gather [hbm4b:s3+s7], $0x10, s5, s7, $0xb8;
	[tilespmem:$0x230] =	vst v63  }
0xc: {  	_ =	swait.ge [sflag:s29], $0x100  }
0xd: {  	[sflag:s29] =	ssyncset.done $0x0  }
0xe: {  	[sflag:s29] =	ssyncadd.s32 $0xFFFFFF00  }
0xf: {  	v0 =	vld [tilespmem:$0x10]  }
0x10: {  	v1 =	vld [tilespmem:$0x20]  }
0x11: {  	v2 =	vld [tilespmem:$0x30]  }
0x12: {  	v3 =	vld [tilespmem:$0x40]  }
0x13: {  	v4 =	vld [tilespmem:$0x50]  }
0x14: {  	v5 =	vld [tilespmem:$0x60]  }
0x15: {  	v54 =	vld [tilespmem:$0x70];
	v0 =	vmax.f32 v0, v1  }
0x16: {  	v55 =	vld [tilespmem:$0x80];
	v0 =	vmax.f32 v0, v2  }
0x17: {  	v56 =	vld [tilespmem:$0x90];
	v0 =	vmax.f32 v0, v3  }
0x18: {  	v57 =	vld [tilespmem:$0xA0];
	v0 =	vmax.f32 v0, v4  }
0x19: {  	v58 =	vld [tilespmem:$0xB0];
	v0 =	vmax.f32 v0, v5  }
0x1a: {  	v59 =	vld [tilespmem:$0xC0];
	v0 =	vmax.f32 v0, v54  }
0x1b: {  	v60 =	vld [tilespmem:$0xD0];
	v0 =	vmax.f32 v0, v55  }
0x1c: {  	v61 =	vld [tilespmem:$0xE0];
	v0 =	vmax.f32 v0, v56  }
0x1d: {  	v62 =	vld [tilespmem:$0xF0];
	v0 =	vmax.f32 v0, v57  }
0x1e: {  	v63 =	vld [tilespmem:$0x100];
	v0 =	vmax.f32 v0, v58  }
0x1f: {  	v0 =	vmax.f32 v0, v59  }
0x20: {  	v0 =	vmax.f32 v0, v60  }
0x21: {  	v0 =	vmax.f32 v0, v61  }
0x22: {  	v0 =	vmax.f32 v0, v62  }
0x23: {  	s30 =	sshll.u32 s4, $0x4;
	v0 =	vmax.f32 v0, v63  }
0x24: {  	s31 =	simm.s32 $0x110;
	s3 =	sadd.s32 s30, s2;
	[tilespmem:$0x110] =	vst v0  }
0x25: {  	[spmem:s3] =	stream.linear.scatter [tilespmem:s31], [sflag:$0x2], $0x10, $0x38;
	[tilespmem:$0x230] =	vst v63  }
0x26: {  	_ =	swait.ge [sflag:s28], $0x10  }
0x27: {  	[sflag:s28] =	ssyncset.done $0x0  }
0x28: {  	[sflag:s28] =	ssyncadd.s32 $0xFFFFFFF0  }
0x29: {  	p0 =	sne.s32 s4, $0x0;
	[bflag:$0x0] =	sbarrier.arrive $0xFFFF  }
0x2a: {  	_ =	sfence.sel @p0 $0x180000  }
0x2b: {  	[bflag:$0x0] =	sbarrier.arrive @p0 $0xFFFF  }
0x2c: {  	_ =	strace @p0 $0x90000047  }
0x2d: {  	s3 =	simm.s32 @!p0 $0x120;
	[bflag:$0x2] =	sbarrier.arrive @p0 $0xFFFF  }
0x2e: {  	[tilespmem:s3], [sflag:$0x2] =	stream.linear.gather @!p0 [spmem:s2], $0x100, $0x38;
	[tilespmem:$0x230] =	vst v63  }
0x2f: {  	s2 =	simm.s32 @!p0 $0x2  }
0x30: {  	_ =	swait.ge @!p0 [sflag:s2], $0x100  }
0x31: {  	[sflag:s2] =	ssyncset.done @!p0 $0x0  }
0x32: {  	[sflag:s2] =	ssyncadd.s32 @!p0 $0xFFFFFF00  }
0x33: {  	v0 =	vld @!p0 [tilespmem:$0x120]  }
0x34: {  	v1 =	vld @!p0 [tilespmem:$0x130]  }
0x35: {  	v2 =	vld @!p0 [tilespmem:$0x140]  }
0x36: {  	v3 =	vld @!p0 [tilespmem:$0x150]  }
0x37: {  	v4 =	vld @!p0 [tilespmem:$0x160]  }
0x38: {  	v5 =	vld @!p0 [tilespmem:$0x170]  }
0x39: {  	v0 =	vmax.f32 @!p0 v0, v1;
	v1 =	vld @!p0 [tilespmem:$0x180]  }
0x3a: {  	v0 =	vmax.f32 @!p0 v0, v2;
	v2 =	vld @!p0 [tilespmem:$0x190]  }
0x3b: {  	v0 =	vmax.f32 @!p0 v0, v3;
	v3 =	vld @!p0 [tilespmem:$0x1A0]  }
0x3c: {  	v0 =	vmax.f32 @!p0 v0, v4;
	v4 =	vld @!p0 [tilespmem:$0x1B0]  }
0x3d: {  	v0 =	vmax.f32 @!p0 v0, v5;
	v5 =	vld @!p0 [tilespmem:$0x1C0]  }
0x3e: {  	v0 =	vmax.f32 @!p0 v0, v1;
	v1 =	vld @!p0 [tilespmem:$0x1D0]  }
0x3f: {  	v0 =	vmax.f32 @!p0 v0, v2;
	v2 =	vld @!p0 [tilespmem:$0x1E0]  }
0x40: {  	v0 =	vmax.f32 @!p0 v0, v3;
	v3 =	vld @!p0 [tilespmem:$0x1F0]  }
0x41: {  	v0 =	vmax.f32 @!p0 v0, v4;
	v4 =	vld @!p0 [tilespmem:$0x200]  }
0x42: {  	v0 =	vmax.f32 @!p0 v0, v5;
	v5 =	vld @!p0 [tilespmem:$0x210]  }
0x43: {  	v0 =	vmax.f32 @!p0 v0, v1  }
0x44: {  	v0 =	vmax.f32 @!p0 v0, v2  }
0x45: {  	v0 =	vmax.f32 @!p0 v0, v3  }
0x46: {  	v0 =	vmax.f32 @!p0 v0, v4  }
0x47: {  	v0 =	vmax.f32 @!p0 v0, v5  }
0x48: {  	s4 =	simm.s32 @!p0 $0x110;
	s3 =	simm.s32 @!p0 $0x0;
	[tilespmem:$0x110] =	vst @!p0 v0  }
0x49: {  	[hbm4b:s1+s3] =	stream.linear.scatter @!p0 [tilespmem:s4], [sflag:$0x2], $0x10, $0x38;
	[tilespmem:$0x230] =	vst v63  }
0x4a: {  	_ =	swait.ge @!p0 [sflag:s2], $0x10  }
0x4b: {  	[sflag:s2] =	ssyncset.done @!p0 $0x0  }
0x4c: {  	[sflag:s2] =	ssyncadd.s32 @!p0 $0xFFFFFFF0  }
0x4d: {  	_ =	sfence.sel @!p0 $0x180000  }
0x4e: {  	[bflag:$0x0] =	sbarrier.arrive @!p0 $0xFFFF  }
0x4f: {  	_ =	strace @!p0 $0x90000047  }
0x50: {  	s0 =	sadd.s32 @!p0 $0x100000, s0;
	[bflag:$0x2] =	sbarrier.arrive @!p0 $0xFFFF  }
0x51: {  	[sflag:s0] =	ssyncadd.tile.s32 @!p0 $0x1;
	_ =	shalt  }
.Lfunc_end2:
_tile_overlayer_lowered:
.L_overlay_start_2:
0x52: {  	(tag) =	ssettag $0x2  }
0x53: {  	s0 =	rddreg [dreg:$0x0];
	s2 =	stileid.u32  }
0x54: {  	s1 =	rddreg [dreg:$0x1];
	p0 =	sne.s32 s2, $0x0  }
0x55: {  	s3 =	rddreg [dreg:$0x2];
	[bflag:$0x3] =	sbarrier.arrive $0xFFFF;
	s2 =	simm.s32 @!p0 $0x1C02  }
0x56: {  	[timem:s3], [sflag:s2] =	dma.local @!p0 [hbm:s0], s1  }
0x57: {  	s0 =	simm.s32 @!p0 $0x2  }
0x58: {  	_ =	swait.ge @!p0 [sflag:s0], s1  }
0x59: {  	s1 =	ssub.s32 @!p0 $0x0, s1;
	[sflag:s0] =	ssyncset.done @!p0 $0x0  }
0x5a: {  	[sflag:s0] =	ssyncadd.s32 @!p0 s1  }
0x5b: {  	[bflag:$0x3] =	sbarrier.arrive $0xFFFF  }
0x5c: {  	_ =	shalt  }

</sc_bundles>
